<compile_context>
chip_gen: v7x
topology: tpu7x:2x2x1
jax: 0.10.2.dev20260603
libtpu: 0.0.44.dev20260713+nightly
codegen_flags: <defaults>
</compile_context>

<pallas_src>
import functools
import numpy as np
import jax
import jax.numpy as jnp
from jax import lax
from jax.experimental import pallas as pl
from jax.experimental.pallas import tpu as pltpu
from jax.experimental.pallas import tpu_sc as plsc

N_BINS = 15
_BOUNDS = np.linspace(0.0, 1.0, N_BINS + 1).astype(np.float32)

_N, _C = 50000, 1000
_CH = 40
_NCH = _N // _CH
_NW = 32
_BASE_CNT = _NCH // _NW
_EXTRA = _NCH - _BASE_CNT * _NW


def _sc_body(x_hbm, lab_hbm, out_hbm, xbuf, labbuf, bins):
    w = lax.axis_index("s") * 2 + lax.axis_index("c")
    base = w * _BASE_CNT + jnp.minimum(w, _EXTRA)
    count = _BASE_CNT + jnp.where(w < _EXTRA, 1, 0)

    zero = jnp.zeros((16,), jnp.float32)
    one = jnp.ones((16,), jnp.float32)
    for b in range(3 * N_BINS):
        bins[b, :] = zero

    lane = lax.iota(jnp.int32, 16)

    def chunk_body(ci, carry):
        row0 = (base + ci) * _CH
        pltpu.sync_copy(x_hbm.at[pl.ds(row0, _CH), :], xbuf)
        pltpu.sync_copy(lab_hbm.at[pl.ds(row0, _CH)], labbuf)

        neg_inf = jnp.full((16,), -jnp.inf, jnp.float32)
        tail_mask = lane >= 8
        nfull = _C // 16

        bins[0, :] = bins[0, :] + xbuf[0, 0:16]
        return carry
    lax.fori_loop(0, count, chunk_body, 0)
    pltpu.sync_copy(bins, out_hbm.at[w])


def _combine_body(p_ref, out_ref, acc_ref, *, n_total, n_workers):
    i = pl.program_id(0)

    @pl.when(i == 0)
    def _init():
        acc_ref[...] = jnp.zeros_like(acc_ref)

    acc_ref[...] += p_ref[0]

    @pl.when(i == n_workers - 1)
    def _finish():
        cnt = jnp.sum(acc_ref[0:N_BINS, :], axis=1, keepdims=True)
        csum = jnp.sum(acc_ref[N_BINS:2 * N_BINS, :], axis=1, keepdims=True)
        asum = jnp.sum(acc_ref[2 * N_BINS:3 * N_BINS, :], axis=1, keepdims=True)
        denom = jnp.maximum(cnt, 1.0)
        contrib = jnp.abs(csum / denom - asum / denom) * (cnt / n_total)
        ece = jnp.sum(jnp.where(cnt > 0, contrib, 0.0), axis=0, keepdims=True)
        out_ref[...] = jnp.sum(ece, axis=1, keepdims=True)


def kernel(logits, labels):
    n, c = logits.shape
    labels_i32 = labels.astype(jnp.int32)

    mesh = plsc.VectorSubcoreMesh(core_axis_name="c", subcore_axis_name="s")
    sc = pl.kernel(
        _sc_body,
        mesh=mesh,
        compiler_params=pltpu.CompilerParams(needs_layout_passes=False),
        out_type=jax.ShapeDtypeStruct((_NW, 3 * N_BINS, 16), jnp.float32),
        scratch_types=[
            pltpu.VMEM((_CH, _C), jnp.float32),
            pltpu.VMEM((_CH,), jnp.int32),
            pltpu.VMEM((3 * N_BINS, 16), jnp.float32),
        ],
    )
    partials = sc(logits, labels_i32)

    combine = functools.partial(_combine_body, n_total=float(n), n_workers=_NW)
    ece = pl.pallas_call(
        combine,
        grid=(_NW,),
        in_specs=[pl.BlockSpec((1, 3 * N_BINS, 16), lambda i: (i, 0, 0))],
        out_specs=pl.BlockSpec((1, 1), lambda i: (0, 0)),
        out_shape=jax.ShapeDtypeStruct((1, 1), jnp.float32),
        scratch_shapes=[pltpu.VMEM((3 * N_BINS, 16), jnp.float32)],
    )(partials)
    return ece.reshape(1)

# --- scband reference (transcript-rebuilt; emitter-appended) ---
"""Pipeline reference for scband-eceloss-35364760715811 (READ-ONLY COPY).

The authoritative reference and input builder live on the scoring server;
editing this copy changes nothing except your own understanding.
"""

import jax, jax.numpy as jnp
import numpy as np

N_BINS = 15

def setup_inputs(seed: int = 0) -> dict:
    key = jax.random.key(seed)
    k1, k2 = jax.random.split(key)
    logits = jax.random.normal(k1, (50000, 1000), dtype=jnp.float32)
    labels = jax.random.randint(k2, (50000,), 0, 1000, dtype=jnp.int64)
    return {"logits": logits, "labels": labels}

def reference(logits, labels):
    # softmax (t_opt == 0 path: no temperature scaling)
    softmaxes = jax.nn.softmax(logits, axis=-1)
    confidences = jnp.max(softmaxes, axis=1)
    predictions = jnp.argmax(softmaxes, axis=1)
    accuracies = (predictions == labels).astype(jnp.float32)

    bounds = np.linspace(0.0, 1.0, N_BINS + 1)
    bin_lowers = bounds[:-1]
    bin_uppers = bounds[1:]

    ece = jnp.zeros((1,), dtype=jnp.float32)
    for bin_lower, bin_upper in zip(bin_lowers, bin_uppers):
        in_bin = (confidences > float(bin_lower)) & (confidences <= float(bin_upper))
        in_bin_f = in_bin.astype(jnp.float32)
        prop_in_bin = jnp.mean(in_bin_f)
        cnt = jnp.sum(in_bin_f)
        denom = jnp.maximum(cnt, 1.0)
        accuracy_in_bin = jnp.sum(accuracies * in_bin_f) / denom
        avg_confidence_in_bin = jnp.sum(confidences * in_bin_f) / denom
        contrib = jnp.abs(avg_confidence_in_bin - accuracy_in_bin) * prop_in_bin
        ece = ece + jnp.where(cnt > 0, contrib, 0.0)
    return ece

if __name__ == "__main__":
    import jax
    _d = setup_inputs()
    print(jax.jit(kernel)(*tuple(_d.values())))

</pallas_src>

<mosaic_0001>
#map = affine_map<(d0, d1) -> (0, 0)>
#map1 = affine_map<(d0, d1) -> (0)>
#map2 = affine_map<(d0, d1) -> (0, 0, 0)>
module attributes {stable_mosaic.version = 14 : i64} {
  func.func @_sc_body(%arg0: i32, %arg1: i32, %arg2: memref<50000x1000xf32, #tpu.memory_space<hbm>>, %arg3: memref<50000xi32, #tpu.memory_space<hbm>>, %arg4: memref<32x45x16xf32, #tpu.memory_space<hbm>>, %arg5: memref<40x1000xf32, #tpu.memory_space<vmem>>, %arg6: memref<40xi32, #tpu.memory_space<vmem>>, %arg7: memref<45x16xf32, #tpu.memory_space<vmem>>) attributes {dimension_semantics = [#tpu.dimension_semantics<core_parallel>, #tpu.dimension_semantics<subcore_parallel>], iteration_bounds = array<i64: 2, 16>, scalar_prefetch = 0 : i64, scratch_operands = 3 : i64, tpu.core_type = #tpu.core_type<sc_vector_subcore>, window_params = [{transform_indices = #map}, {transform_indices = #map1}, {transform_indices = #map2}]} {
    %mul3A = arith.constant 2 : i32
    %mul3A_0 = arith.muli %arg1, %mul3A : i32
    %add3A = arith.addi %mul3A_0, %arg0 : i32
    %mul3A_1 = arith.constant 39 : i32
    %mul3A_2 = arith.muli %add3A, %mul3A_1 : i32
    %min3A = arith.constant 2 : i32
    %min3A_3 = arith.minsi %add3A, %min3A : i32
    %add3A_4 = arith.addi %mul3A_2, %min3A_3 : i32
    %lt3A = arith.constant 2 : i32
    %lt3A_5 = arith.cmpi slt, %add3A, %lt3A : i32
    %jit3A = arith.constant 1 : i32
    %jit3A_6 = arith.constant 0 : i32
    %select_n3A = arith.select %lt3A_5, %jit3A, %jit3A_6 : i32
    %add3A_7 = arith.constant 39 : i32
    %add3A_8 = arith.addi %add3A_7, %select_n3A : i32
    %broadcast_in_dim3A = arith.constant 0.000000e+00 : f32
    %broadcast_in_dim3A_9 = vector.broadcast %broadcast_in_dim3A : f32 to vector<16xf32>
    %broadcast_in_dim3A_10 = arith.constant 1.000000e+00 : f32
    %broadcast_in_dim3A_11 = vector.broadcast %broadcast_in_dim3A_10 : f32 to vector<16xf32>
    %swap3A = arith.constant 0 : i32
    %swap3A_12 = arith.index_cast %swap3A : i32 to index
    %swap3A_13 = arith.constant 0 : index
    %swap3A_14 = tpu.vector_load %arg7[%swap3A_12, %swap3A_13] {strides = array<i32>} : memref<45x16xf32, #tpu.memory_space<vmem>>, vector<16xf32>,
    tpu.vector_store %arg7[%swap3A_12, %swap3A_13], %broadcast_in_dim3A_9 {strides = array<i32>} : memref<45x16xf32, #tpu.memory_space<vmem>>, vector<16xf32>,
    %swap3A_15 = arith.constant 1 : i32
    %swap3A_16 = arith.index_cast %swap3A_15 : i32 to index
    %swap3A_17 = arith.constant 0 : index
    %swap3A_18 = tpu.vector_load %arg7[%swap3A_16, %swap3A_17] {strides = array<i32>} : memref<45x16xf32, #tpu.memory_space<vmem>>, vector<16xf32>,
    tpu.vector_store %arg7[%swap3A_16, %swap3A_17], %broadcast_in_dim3A_9 {strides = array<i32>} : memref<45x16xf32, #tpu.memory_space<vmem>>, vector<16xf32>,
    %swap3A_19 = arith.constant 2 : i32
    %swap3A_20 = arith.index_cast %swap3A_19 : i32 to index
    %swap3A_21 = arith.constant 0 : index
    %swap3A_22 = tpu.vector_load %arg7[%swap3A_20, %swap3A_21] {strides = array<i32>} : memref<45x16xf32, #tpu.memory_space<vmem>>, vector<16xf32>,
    tpu.vector_store %arg7[%swap3A_20, %swap3A_21], %broadcast_in_dim3A_9 {strides = array<i32>} : memref<45x16xf32, #tpu.memory_space<vmem>>, vector<16xf32>,
    %swap3A_23 = arith.constant 3 : i32
    %swap3A_24 = arith.index_cast %swap3A_23 : i32 to index
    %swap3A_25 = arith.constant 0 : index
    %swap3A_26 = tpu.vector_load %arg7[%swap3A_24, %swap3A_25] {strides = array<i32>} : memref<45x16xf32, #tpu.memory_space<vmem>>, vector<16xf32>,
    tpu.vector_store %arg7[%swap3A_24, %swap3A_25], %broadcast_in_dim3A_9 {strides = array<i32>} : memref<45x16xf32, #tpu.memory_space<vmem>>, vector<16xf32>,
    %swap3A_27 = arith.constant 4 : i32
    %swap3A_28 = arith.index_cast %swap3A_27 : i32 to index
    %swap3A_29 = arith.constant 0 : index
    %swap3A_30 = tpu.vector_load %arg7[%swap3A_28, %swap3A_29] {strides = array<i32>} : memref<45x16xf32, #tpu.memory_space<vmem>>, vector<16xf32>,
    tpu.vector_store %arg7[%swap3A_28, %swap3A_29], %broadcast_in_dim3A_9 {strides = array<i32>} : memref<45x16xf32, #tpu.memory_space<vmem>>, vector<16xf32>,
    %swap3A_31 = arith.constant 5 : i32
    %swap3A_32 = arith.index_cast %swap3A_31 : i32 to index
    %swap3A_33 = arith.constant 0 : index
    %swap3A_34 = tpu.vector_load %arg7[%swap3A_32, %swap3A_33] {strides = array<i32>} : memref<45x16xf32, #tpu.memory_space<vmem>>, vector<16xf32>,
    tpu.vector_store %arg7[%swap3A_32, %swap3A_33], %broadcast_in_dim3A_9 {strides = array<i32>} : memref<45x16xf32, #tpu.memory_space<vmem>>, vector<16xf32>,
    %swap3A_35 = arith.constant 6 : i32
    %swap3A_36 = arith.index_cast %swap3A_35 : i32 to index
    %swap3A_37 = arith.constant 0 : index
    %swap3A_38 = tpu.vector_load %arg7[%swap3A_36, %swap3A_37] {strides = array<i32>} : memref<45x16xf32, #tpu.memory_space<vmem>>, vector<16xf32>,
    tpu.vector_store %arg7[%swap3A_36, %swap3A_37], %broadcast_in_dim3A_9 {strides = array<i32>} : memref<45x16xf32, #tpu.memory_space<vmem>>, vector<16xf32>,
    %swap3A_39 = arith.constant 7 : i32
    %swap3A_40 = arith.index_cast %swap3A_39 : i32 to index
    %swap3A_41 = arith.constant 0 : index
    %swap3A_42 = tpu.vector_load %arg7[%swap3A_40, %swap3A_41] {strides = array<i32>} : memref<45x16xf32, #tpu.memory_space<vmem>>, vector<16xf32>,
    tpu.vector_store %arg7[%swap3A_40, %swap3A_41], %broadcast_in_dim3A_9 {strides = array<i32>} : memref<45x16xf32, #tpu.memory_space<vmem>>, vector<16xf32>,
    %swap3A_43 = arith.constant 8 : i32
    %swap3A_44 = arith.index_cast %swap3A_43 : i32 to index
    %swap3A_45 = arith.constant 0 : index
    %swap3A_46 = tpu.vector_load %arg7[%swap3A_44, %swap3A_45] {strides = array<i32>} : memref<45x16xf32, #tpu.memory_space<vmem>>, vector<16xf32>,
    tpu.vector_store %arg7[%swap3A_44, %swap3A_45], %broadcast_in_dim3A_9 {strides = array<i32>} : memref<45x16xf32, #tpu.memory_space<vmem>>, vector<16xf32>,
    %swap3A_47 = arith.constant 9 : i32
    %swap3A_48 = arith.index_cast %swap3A_47 : i32 to index
    %swap3A_49 = arith.constant 0 : index
    %swap3A_50 = tpu.vector_load %arg7[%swap3A_48, %swap3A_49] {strides = array<i32>} : memref<45x16xf32, #tpu.memory_space<vmem>>, vector<16xf32>,
    tpu.vector_store %arg7[%swap3A_48, %swap3A_49], %broadcast_in_dim3A_9 {strides = array<i32>} : memref<45x16xf32, #tpu.memory_space<vmem>>, vector<16xf32>,
    %swap3A_51 = arith.constant 10 : i32
    %swap3A_52 = arith.index_cast %swap3A_51 : i32 to index
    %swap3A_53 = arith.constant 0 : index
    %swap3A_54 = tpu.vector_load %arg7[%swap3A_52, %swap3A_53] {strides = array<i32>} : memref<45x16xf32, #tpu.memory_space<vmem>>, vector<16xf32>,
    tpu.vector_store %arg7[%swap3A_52, %swap3A_53], %broadcast_in_dim3A_9 {strides = array<i32>} : memref<45x16xf32, #tpu.memory_space<vmem>>, vector<16xf32>,
    %swap3A_55 = arith.constant 11 : i32
    %swap3A_56 = arith.index_cast %swap3A_55 : i32 to index
    %swap3A_57 = arith.constant 0 : index
    %swap3A_58 = tpu.vector_load %arg7[%swap3A_56, %swap3A_57] {strides = array<i32>} : memref<45x16xf32, #tpu.memory_space<vmem>>, vector<16xf32>,
    tpu.vector_store %arg7[%swap3A_56, %swap3A_57], %broadcast_in_dim3A_9 {strides = array<i32>} : memref<45x16xf32, #tpu.memory_space<vmem>>, vector<16xf32>,
    %swap3A_59 = arith.constant 12 : i32
    %swap3A_60 = arith.index_cast %swap3A_59 : i32 to index
    %swap3A_61 = arith.constant 0 : index
    %swap3A_62 = tpu.vector_load %arg7[%swap3A_60, %swap3A_61] {strides = array<i32>} : memref<45x16xf32, #tpu.memory_space<vmem>>, vector<16xf32>,
    tpu.vector_store %arg7[%swap3A_60, %swap3A_61], %broadcast_in_dim3A_9 {strides = array<i32>} : memref<45x16xf32, #tpu.memory_space<vmem>>, vector<16xf32>,
    %swap3A_63 = arith.constant 13 : i32
    %swap3A_64 = arith.index_cast %swap3A_63 : i32 to index
    %swap3A_65 = arith.constant 0 : index
    %swap3A_66 = tpu.vector_load %arg7[%swap3A_64, %swap3A_65] {strides = array<i32>} : memref<45x16xf32, #tpu.memory_space<vmem>>, vector<16xf32>,
    tpu.vector_store %arg7[%swap3A_64, %swap3A_65], %broadcast_in_dim3A_9 {strides = array<i32>} : memref<45x16xf32, #tpu.memory_space<vmem>>, vector<16xf32>,
    %swap3A_67 = arith.constant 14 : i32
    %swap3A_68 = arith.index_cast %swap3A_67 : i32 to index
    %swap3A_69 = arith.constant 0 : index
    %swap3A_70 = tpu.vector_load %arg7[%swap3A_68, %swap3A_69] {strides = array<i32>} : memref<45x16xf32, #tpu.memory_space<vmem>>, vector<16xf32>,
    tpu.vector_store %arg7[%swap3A_68, %swap3A_69], %broadcast_in_dim3A_9 {strides = array<i32>} : memref<45x16xf32, #tpu.memory_space<vmem>>, vector<16xf32>,
    %swap3A_71 = arith.constant 15 : i32
    %swap3A_72 = arith.index_cast %swap3A_71 : i32 to index
    %swap3A_73 = arith.constant 0 : index
    %swap3A_74 = tpu.vector_load %arg7[%swap3A_72, %swap3A_73] {strides = array<i32>} : memref<45x16xf32, #tpu.memory_space<vmem>>, vector<16xf32>,
    tpu.vector_store %arg7[%swap3A_72, %swap3A_73], %broadcast_in_dim3A_9 {strides = array<i32>} : memref<45x16xf32, #tpu.memory_space<vmem>>, vector<16xf32>,
    %swap3A_75 = arith.constant 16 : i32
    %swap3A_76 = arith.index_cast %swap3A_75 : i32 to index
    %swap3A_77 = arith.constant 0 : index
    %swap3A_78 = tpu.vector_load %arg7[%swap3A_76, %swap3A_77] {strides = array<i32>} : memref<45x16xf32, #tpu.memory_space<vmem>>, vector<16xf32>,
    tpu.vector_store %arg7[%swap3A_76, %swap3A_77], %broadcast_in_dim3A_9 {strides = array<i32>} : memref<45x16xf32, #tpu.memory_space<vmem>>, vector<16xf32>,
    %swap3A_79 = arith.constant 17 : i32
    %swap3A_80 = arith.index_cast %swap3A_79 : i32 to index
    %swap3A_81 = arith.constant 0 : index
    %swap3A_82 = tpu.vector_load %arg7[%swap3A_80, %swap3A_81] {strides = array<i32>} : memref<45x16xf32, #tpu.memory_space<vmem>>, vector<16xf32>,
    tpu.vector_store %arg7[%swap3A_80, %swap3A_81], %broadcast_in_dim3A_9 {strides = array<i32>} : memref<45x16xf32, #tpu.memory_space<vmem>>, vector<16xf32>,
    %swap3A_83 = arith.constant 18 : i32
    %swap3A_84 = arith.index_cast %swap3A_83 : i32 to index
    %swap3A_85 = arith.constant 0 : index
    %swap3A_86 = tpu.vector_load %arg7[%swap3A_84, %swap3A_85] {strides = array<i32>} : memref<45x16xf32, #tpu.memory_space<vmem>>, vector<16xf32>,
    tpu.vector_store %arg7[%swap3A_84, %swap3A_85], %broadcast_in_dim3A_9 {strides = array<i32>} : memref<45x16xf32, #tpu.memory_space<vmem>>, vector<16xf32>,
    %swap3A_87 = arith.constant 19 : i32
    %swap3A_88 = arith.index_cast %swap3A_87 : i32 to index
    %swap3A_89 = arith.constant 0 : index
    %swap3A_90 = tpu.vector_load %arg7[%swap3A_88, %swap3A_89] {strides = array<i32>} : memref<45x16xf32, #tpu.memory_space<vmem>>, vector<16xf32>,
    tpu.vector_store %arg7[%swap3A_88, %swap3A_89], %broadcast_in_dim3A_9 {strides = array<i32>} : memref<45x16xf32, #tpu.memory_space<vmem>>, vector<16xf32>,
    %swap3A_91 = arith.constant 20 : i32
    %swap3A_92 = arith.index_cast %swap3A_91 : i32 to index
    %swap3A_93 = arith.constant 0 : index
    %swap3A_94 = tpu.vector_load %arg7[%swap3A_92, %swap3A_93] {strides = array<i32>} : memref<45x16xf32, #tpu.memory_space<vmem>>, vector<16xf32>,
    tpu.vector_store %arg7[%swap3A_92, %swap3A_93], %broadcast_in_dim3A_9 {strides = array<i32>} : memref<45x16xf32, #tpu.memory_space<vmem>>, vector<16xf32>,
    %swap3A_95 = arith.constant 21 : i32
    %swap3A_96 = arith.index_cast %swap3A_95 : i32 to index
    %swap3A_97 = arith.constant 0 : index
    %swap3A_98 = tpu.vector_load %arg7[%swap3A_96, %swap3A_97] {strides = array<i32>} : memref<45x16xf32, #tpu.memory_space<vmem>>, vector<16xf32>,
    tpu.vector_store %arg7[%swap3A_96, %swap3A_97], %broadcast_in_dim3A_9 {strides = array<i32>} : memref<45x16xf32, #tpu.memory_space<vmem>>, vector<16xf32>,
    %swap3A_99 = arith.constant 22 : i32
    %swap3A_100 = arith.index_cast %swap3A_99 : i32 to index
    %swap3A_101 = arith.constant 0 : index
    %swap3A_102 = tpu.vector_load %arg7[%swap3A_100, %swap3A_101] {strides = array<i32>} : memref<45x16xf32, #tpu.memory_space<vmem>>, vector<16xf32>,
    tpu.vector_store %arg7[%swap3A_100, %swap3A_101], %broadcast_in_dim3A_9 {strides = array<i32>} : memref<45x16xf32, #tpu.memory_space<vmem>>, vector<16xf32>,
    %swap3A_103 = arith.constant 23 : i32
    %swap3A_104 = arith.index_cast %swap3A_103 : i32 to index
    %swap3A_105 = arith.constant 0 : index
    %swap3A_106 = tpu.vector_load %arg7[%swap3A_104, %swap3A_105] {strides = array<i32>} : memref<45x16xf32, #tpu.memory_space<vmem>>, vector<16xf32>,
    tpu.vector_store %arg7[%swap3A_104, %swap3A_105], %broadcast_in_dim3A_9 {strides = array<i32>} : memref<45x16xf32, #tpu.memory_space<vmem>>, vector<16xf32>,
    %swap3A_107 = arith.constant 24 : i32
    %swap3A_108 = arith.index_cast %swap3A_107 : i32 to index
    %swap3A_109 = arith.constant 0 : index
    %swap3A_110 = tpu.vector_load %arg7[%swap3A_108, %swap3A_109] {strides = array<i32>} : memref<45x16xf32, #tpu.memory_space<vmem>>, vector<16xf32>,
    tpu.vector_store %arg7[%swap3A_108, %swap3A_109], %broadcast_in_dim3A_9 {strides = array<i32>} : memref<45x16xf32, #tpu.memory_space<vmem>>, vector<16xf32>,
    %swap3A_111 = arith.constant 25 : i32
    %swap3A_112 = arith.index_cast %swap3A_111 : i32 to index
    %swap3A_113 = arith.constant 0 : index
    %swap3A_114 = tpu.vector_load %arg7[%swap3A_112, %swap3A_113] {strides = array<i32>} : memref<45x16xf32, #tpu.memory_space<vmem>>, vector<16xf32>,
    tpu.vector_store %arg7[%swap3A_112, %swap3A_113], %broadcast_in_dim3A_9 {strides = array<i32>} : memref<45x16xf32, #tpu.memory_space<vmem>>, vector<16xf32>,
    %swap3A_115 = arith.constant 26 : i32
    %swap3A_116 = arith.index_cast %swap3A_115 : i32 to index
    %swap3A_117 = arith.constant 0 : index
    %swap3A_118 = tpu.vector_load %arg7[%swap3A_116, %swap3A_117] {strides = array<i32>} : memref<45x16xf32, #tpu.memory_space<vmem>>, vector<16xf32>,
    tpu.vector_store %arg7[%swap3A_116, %swap3A_117], %broadcast_in_dim3A_9 {strides = array<i32>} : memref<45x16xf32, #tpu.memory_space<vmem>>, vector<16xf32>,
    %swap3A_119 = arith.constant 27 : i32
    %swap3A_120 = arith.index_cast %swap3A_119 : i32 to index
    %swap3A_121 = arith.constant 0 : index
    %swap3A_122 = tpu.vector_load %arg7[%swap3A_120, %swap3A_121] {strides = array<i32>} : memref<45x16xf32, #tpu.memory_space<vmem>>, vector<16xf32>,
    tpu.vector_store %arg7[%swap3A_120, %swap3A_121], %broadcast_in_dim3A_9 {strides = array<i32>} : memref<45x16xf32, #tpu.memory_space<vmem>>, vector<16xf32>,
    %swap3A_123 = arith.constant 28 : i32
    %swap3A_124 = arith.index_cast %swap3A_123 : i32 to index
    %swap3A_125 = arith.constant 0 : index
    %swap3A_126 = tpu.vector_load %arg7[%swap3A_124, %swap3A_125] {strides = array<i32>} : memref<45x16xf32, #tpu.memory_space<vmem>>, vector<16xf32>,
    tpu.vector_store %arg7[%swap3A_124, %swap3A_125], %broadcast_in_dim3A_9 {strides = array<i32>} : memref<45x16xf32, #tpu.memory_space<vmem>>, vector<16xf32>,
    %swap3A_127 = arith.constant 29 : i32
    %swap3A_128 = arith.index_cast %swap3A_127 : i32 to index
    %swap3A_129 = arith.constant 0 : index
    %swap3A_130 = tpu.vector_load %arg7[%swap3A_128, %swap3A_129] {strides = array<i32>} : memref<45x16xf32, #tpu.memory_space<vmem>>, vector<16xf32>,
    tpu.vector_store %arg7[%swap3A_128, %swap3A_129], %broadcast_in_dim3A_9 {strides = array<i32>} : memref<45x16xf32, #tpu.memory_space<vmem>>, vector<16xf32>,
    %swap3A_131 = arith.constant 30 : i32
    %swap3A_132 = arith.index_cast %swap3A_131 : i32 to index
    %swap3A_133 = arith.constant 0 : index
    %swap3A_134 = tpu.vector_load %arg7[%swap3A_132, %swap3A_133] {strides = array<i32>} : memref<45x16xf32, #tpu.memory_space<vmem>>, vector<16xf32>,
    tpu.vector_store %arg7[%swap3A_132, %swap3A_133], %broadcast_in_dim3A_9 {strides = array<i32>} : memref<45x16xf32, #tpu.memory_space<vmem>>, vector<16xf32>,
    %swap3A_135 = arith.constant 31 : i32
    %swap3A_136 = arith.index_cast %swap3A_135 : i32 to index
    %swap3A_137 = arith.constant 0 : index
    %swap3A_138 = tpu.vector_load %arg7[%swap3A_136, %swap3A_137] {strides = array<i32>} : memref<45x16xf32, #tpu.memory_space<vmem>>, vector<16xf32>,
    tpu.vector_store %arg7[%swap3A_136, %swap3A_137], %broadcast_in_dim3A_9 {strides = array<i32>} : memref<45x16xf32, #tpu.memory_space<vmem>>, vector<16xf32>,
    %swap3A_139 = arith.constant 32 : i32
    %swap3A_140 = arith.index_cast %swap3A_139 : i32 to index
    %swap3A_141 = arith.constant 0 : index
    %swap3A_142 = tpu.vector_load %arg7[%swap3A_140, %swap3A_141] {strides = array<i32>} : memref<45x16xf32, #tpu.memory_space<vmem>>, vector<16xf32>,
    tpu.vector_store %arg7[%swap3A_140, %swap3A_141], %broadcast_in_dim3A_9 {strides = array<i32>} : memref<45x16xf32, #tpu.memory_space<vmem>>, vector<16xf32>,
    %swap3A_143 = arith.constant 33 : i32
    %swap3A_144 = arith.index_cast %swap3A_143 : i32 to index
    %swap3A_145 = arith.constant 0 : index
    %swap3A_146 = tpu.vector_load %arg7[%swap3A_144, %swap3A_145] {strides = array<i32>} : memref<45x16xf32, #tpu.memory_space<vmem>>, vector<16xf32>,
    tpu.vector_store %arg7[%swap3A_144, %swap3A_145], %broadcast_in_dim3A_9 {strides = array<i32>} : memref<45x16xf32, #tpu.memory_space<vmem>>, vector<16xf32>,
    %swap3A_147 = arith.constant 34 : i32
    %swap3A_148 = arith.index_cast %swap3A_147 : i32 to index
    %swap3A_149 = arith.constant 0 : index
    %swap3A_150 = tpu.vector_load %arg7[%swap3A_148, %swap3A_149] {strides = array<i32>} : memref<45x16xf32, #tpu.memory_space<vmem>>, vector<16xf32>,
    tpu.vector_store %arg7[%swap3A_148, %swap3A_149], %broadcast_in_dim3A_9 {strides = array<i32>} : memref<45x16xf32, #tpu.memory_space<vmem>>, vector<16xf32>,
    %swap3A_151 = arith.constant 35 : i32
    %swap3A_152 = arith.index_cast %swap3A_151 : i32 to index
    %swap3A_153 = arith.constant 0 : index
    %swap3A_154 = tpu.vector_load %arg7[%swap3A_152, %swap3A_153] {strides = array<i32>} : memref<45x16xf32, #tpu.memory_space<vmem>>, vector<16xf32>,
    tpu.vector_store %arg7[%swap3A_152, %swap3A_153], %broadcast_in_dim3A_9 {strides = array<i32>} : memref<45x16xf32, #tpu.memory_space<vmem>>, vector<16xf32>,
    %swap3A_155 = arith.constant 36 : i32
    %swap3A_156 = arith.index_cast %swap3A_155 : i32 to index
    %swap3A_157 = arith.constant 0 : index
    %swap3A_158 = tpu.vector_load %arg7[%swap3A_156, %swap3A_157] {strides = array<i32>} : memref<45x16xf32, #tpu.memory_space<vmem>>, vector<16xf32>,
    tpu.vector_store %arg7[%swap3A_156, %swap3A_157], %broadcast_in_dim3A_9 {strides = array<i32>} : memref<45x16xf32, #tpu.memory_space<vmem>>, vector<16xf32>,
    %swap3A_159 = arith.constant 37 : i32
    %swap3A_160 = arith.index_cast %swap3A_159 : i32 to index
    %swap3A_161 = arith.constant 0 : index
    %swap3A_162 = tpu.vector_load %arg7[%swap3A_160, %swap3A_161] {strides = array<i32>} : memref<45x16xf32, #tpu.memory_space<vmem>>, vector<16xf32>,
    tpu.vector_store %arg7[%swap3A_160, %swap3A_161], %broadcast_in_dim3A_9 {strides = array<i32>} : memref<45x16xf32, #tpu.memory_space<vmem>>, vector<16xf32>,
    %swap3A_163 = arith.constant 38 : i32
    %swap3A_164 = arith.index_cast %swap3A_163 : i32 to index
    %swap3A_165 = arith.constant 0 : index
    %swap3A_166 = tpu.vector_load %arg7[%swap3A_164, %swap3A_165] {strides = array<i32>} : memref<45x16xf32, #tpu.memory_space<vmem>>, vector<16xf32>,
    tpu.vector_store %arg7[%swap3A_164, %swap3A_165], %broadcast_in_dim3A_9 {strides = array<i32>} : memref<45x16xf32, #tpu.memory_space<vmem>>, vector<16xf32>,
    %swap3A_167 = arith.constant 39 : i32
    %swap3A_168 = arith.index_cast %swap3A_167 : i32 to index
    %swap3A_169 = arith.constant 0 : index
    %swap3A_170 = tpu.vector_load %arg7[%swap3A_168, %swap3A_169] {strides = array<i32>} : memref<45x16xf32, #tpu.memory_space<vmem>>, vector<16xf32>,
    tpu.vector_store %arg7[%swap3A_168, %swap3A_169], %broadcast_in_dim3A_9 {strides = array<i32>} : memref<45x16xf32, #tpu.memory_space<vmem>>, vector<16xf32>,
    %swap3A_171 = arith.constant 40 : i32
    %swap3A_172 = arith.index_cast %swap3A_171 : i32 to index
    %swap3A_173 = arith.constant 0 : index
    %swap3A_174 = tpu.vector_load %arg7[%swap3A_172, %swap3A_173] {strides = array<i32>} : memref<45x16xf32, #tpu.memory_space<vmem>>, vector<16xf32>,
    tpu.vector_store %arg7[%swap3A_172, %swap3A_173], %broadcast_in_dim3A_9 {strides = array<i32>} : memref<45x16xf32, #tpu.memory_space<vmem>>, vector<16xf32>,
    %swap3A_175 = arith.constant 41 : i32
    %swap3A_176 = arith.index_cast %swap3A_175 : i32 to index
    %swap3A_177 = arith.constant 0 : index
    %swap3A_178 = tpu.vector_load %arg7[%swap3A_176, %swap3A_177] {strides = array<i32>} : memref<45x16xf32, #tpu.memory_space<vmem>>, vector<16xf32>,
    tpu.vector_store %arg7[%swap3A_176, %swap3A_177], %broadcast_in_dim3A_9 {strides = array<i32>} : memref<45x16xf32, #tpu.memory_space<vmem>>, vector<16xf32>,
    %swap3A_179 = arith.constant 42 : i32
    %swap3A_180 = arith.index_cast %swap3A_179 : i32 to index
    %swap3A_181 = arith.constant 0 : index
    %swap3A_182 = tpu.vector_load %arg7[%swap3A_180, %swap3A_181] {strides = array<i32>} : memref<45x16xf32, #tpu.memory_space<vmem>>, vector<16xf32>,
    tpu.vector_store %arg7[%swap3A_180, %swap3A_181], %broadcast_in_dim3A_9 {strides = array<i32>} : memref<45x16xf32, #tpu.memory_space<vmem>>, vector<16xf32>,
    %swap3A_183 = arith.constant 43 : i32
    %swap3A_184 = arith.index_cast %swap3A_183 : i32 to index
    %swap3A_185 = arith.constant 0 : index
    %swap3A_186 = tpu.vector_load %arg7[%swap3A_184, %swap3A_185] {strides = array<i32>} : memref<45x16xf32, #tpu.memory_space<vmem>>, vector<16xf32>,
    tpu.vector_store %arg7[%swap3A_184, %swap3A_185], %broadcast_in_dim3A_9 {strides = array<i32>} : memref<45x16xf32, #tpu.memory_space<vmem>>, vector<16xf32>,
    %swap3A_187 = arith.constant 44 : i32
    %swap3A_188 = arith.index_cast %swap3A_187 : i32 to index
    %swap3A_189 = arith.constant 0 : index
    %swap3A_190 = tpu.vector_load %arg7[%swap3A_188, %swap3A_189] {strides = array<i32>} : memref<45x16xf32, #tpu.memory_space<vmem>>, vector<16xf32>,
    tpu.vector_store %arg7[%swap3A_188, %swap3A_189], %broadcast_in_dim3A_9 {strides = array<i32>} : memref<45x16xf32, #tpu.memory_space<vmem>>, vector<16xf32>,
    %iota3A = tpu.iota {dimensions = array<i32: 0>} : vector<16xi32>
    %while3A = arith.constant 0 : i32
    %while3A_191 = arith.constant 0 : i32
    %while3A_192 = arith.subi %add3A_8, %while3A_191 : i32
    %while3A_193 = arith.addi %while3A_191, %while3A_192 : i32
    %while3A_194 = arith.constant 1 : i32
    %while3A_195 = arith.divsi %while3A_192, %while3A_194 : i32
    %while3A_196 = arith.muli %while3A_195, %while3A_194 : i32
    %while3A_197 = arith.addi %while3A_191, %while3A_196 : i32
    %while3A_198 = arith.constant 1 : i32
    scf.for %while3A_200 = %while3A_191 to %while3A_197 step %while3A_198  : i32 {
      %add3A_201 = arith.addi %add3A_4, %while3A_200 : i32
      %mul3A_202 = arith.constant 40 : i32
      %mul3A_203 = arith.muli %add3A_201, %mul3A_202 : i32
      "tpu.region"() ({
        %run_scoped3A = tpu.sem_alloc : memref<!tpu.dma_semaphore, #tpu.memory_space<semaphore_mem>>
        %dma_start3A = arith.constant 0 : i32
        %dma_start3A_220 = tpu.memref_slice %arg2[%mul3A_203, %dma_start3A] : memref<50000x1000xf32, #tpu.memory_space<hbm>> -> memref<40x1000xf32, #tpu.memory_space<hbm>>
        %dma_start3A_221 = arith.constant 0 : i32
        %dma_start3A_222 = tpu.memref_slice %arg2[%mul3A_203, %dma_start3A_221] : memref<50000x1000xf32, #tpu.memory_space<hbm>> -> memref<40x1000xf32, #tpu.memory_space<hbm>>
        tpu.enqueue_dma source(%dma_start3A_222 : memref<40x1000xf32, #tpu.memory_space<hbm>>) target(%arg5 : memref<40x1000xf32, #tpu.memory_space<vmem>>) target_semaphore(%run_scoped3A : memref<!tpu.dma_semaphore, #tpu.memory_space<semaphore_mem>>)
        %dma_wait3A = arith.constant 0 : i32
        %dma_wait3A_223 = tpu.memref_slice %arg2[%mul3A_203, %dma_wait3A] : memref<50000x1000xf32, #tpu.memory_space<hbm>> -> memref<40x1000xf32, #tpu.memory_space<hbm>>
        %dma_wait3A_224 = arith.constant 0 : i32
        %dma_wait3A_225 = tpu.memref_slice %arg2[%mul3A_203, %dma_wait3A_224] : memref<50000x1000xf32, #tpu.memory_space<hbm>> -> memref<40x1000xf32, #tpu.memory_space<hbm>>
        tpu.wait_dma2 semaphore(%run_scoped3A : memref<!tpu.dma_semaphore, #tpu.memory_space<semaphore_mem>>) src(%dma_wait3A_225 : memref<40x1000xf32, #tpu.memory_space<hbm>>) dst(%arg5 : memref<40x1000xf32, #tpu.memory_space<vmem>>)
        tpu.yield
      }) : () -> ()
      "tpu.region"() ({
        %run_scoped3A = tpu.sem_alloc : memref<!tpu.dma_semaphore, #tpu.memory_space<semaphore_mem>>
        %dma_start3A = tpu.memref_slice %arg3[%mul3A_203] : memref<50000xi32, #tpu.memory_space<hbm>> -> memref<40xi32, #tpu.memory_space<hbm>>
        %dma_start3A_220 = tpu.memref_slice %arg3[%mul3A_203] : memref<50000xi32, #tpu.memory_space<hbm>> -> memref<40xi32, #tpu.memory_space<hbm>>
        tpu.enqueue_dma source(%dma_start3A_220 : memref<40xi32, #tpu.memory_space<hbm>>) target(%arg6 : memref<40xi32, #tpu.memory_space<vmem>>) target_semaphore(%run_scoped3A : memref<!tpu.dma_semaphore, #tpu.memory_space<semaphore_mem>>)
        %dma_wait3A = tpu.memref_slice %arg3[%mul3A_203] : memref<50000xi32, #tpu.memory_space<hbm>> -> memref<40xi32, #tpu.memory_space<hbm>>
        %dma_wait3A_221 = tpu.memref_slice %arg3[%mul3A_203] : memref<50000xi32, #tpu.memory_space<hbm>> -> memref<40xi32, #tpu.memory_space<hbm>>
        tpu.wait_dma2 semaphore(%run_scoped3A : memref<!tpu.dma_semaphore, #tpu.memory_space<semaphore_mem>>) src(%dma_wait3A_221 : memref<40xi32, #tpu.memory_space<hbm>>) dst(%arg6 : memref<40xi32, #tpu.memory_space<vmem>>)
        tpu.yield
      }) : () -> ()
      %broadcast_in_dim3A_204 = arith.constant 0xFF800000 : f32
      %broadcast_in_dim3A_205 = vector.broadcast %broadcast_in_dim3A_204 : f32 to vector<16xf32>
      %ge3A = arith.constant 8 : i32
      %ge3A_206 = vector.broadcast %ge3A : i32 to vector<16xi32>
      %ge3A_207 = arith.cmpi sge, %iota3A, %ge3A_206 : vector<16xi32>
      %get3A = arith.constant 0 : i32
      %get3A_208 = arith.index_cast %get3A : i32 to index
      %get3A_209 = arith.constant 0 : index
      %get3A_210 = tpu.vector_load %arg7[%get3A_208, %get3A_209] {strides = array<i32>} : memref<45x16xf32, #tpu.memory_space<vmem>>, vector<16xf32>,
      %get3A_211 = arith.constant 0 : i32
      %get3A_212 = arith.index_cast %get3A_211 : i32 to index
      %get3A_213 = arith.constant 0 : index
      %get3A_214 = tpu.vector_load %arg5[%get3A_212, %get3A_213] {strides = array<i32>} : memref<40x1000xf32, #tpu.memory_space<vmem>>, vector<16xf32>,
      %add3A_215 = arith.addf %get3A_210, %get3A_214 : vector<16xf32>
      %swap3A_216 = arith.constant 0 : i32
      %swap3A_217 = arith.index_cast %swap3A_216 : i32 to index
      %swap3A_218 = arith.constant 0 : index
      %swap3A_219 = tpu.vector_load %arg7[%swap3A_217, %swap3A_218] {strides = array<i32>} : memref<45x16xf32, #tpu.memory_space<vmem>>, vector<16xf32>,
      tpu.vector_store %arg7[%swap3A_217, %swap3A_218], %add3A_215 {strides = array<i32>} : memref<45x16xf32, #tpu.memory_space<vmem>>, vector<16xf32>,
    }
    %while3A_199 = arith.constant 1 : i32
    scf.for %while3A_200 = %while3A_197 to %while3A_193 step %while3A_199  : i32 {
      %add3A_201 = arith.addi %add3A_4, %while3A_200 : i32
      %mul3A_202 = arith.constant 40 : i32
      %mul3A_203 = arith.muli %add3A_201, %mul3A_202 : i32
      "tpu.region"() ({
        %run_scoped3A = tpu.sem_alloc : memref<!tpu.dma_semaphore, #tpu.memory_space<semaphore_mem>>
        %dma_start3A = arith.constant 0 : i32
        %dma_start3A_220 = tpu.memref_slice %arg2[%mul3A_203, %dma_start3A] : memref<50000x1000xf32, #tpu.memory_space<hbm>> -> memref<40x1000xf32, #tpu.memory_space<hbm>>
        %dma_start3A_221 = arith.constant 0 : i32
        %dma_start3A_222 = tpu.memref_slice %arg2[%mul3A_203, %dma_start3A_221] : memref<50000x1000xf32, #tpu.memory_space<hbm>> -> memref<40x1000xf32, #tpu.memory_space<hbm>>
        tpu.enqueue_dma source(%dma_start3A_222 : memref<40x1000xf32, #tpu.memory_space<hbm>>) target(%arg5 : memref<40x1000xf32, #tpu.memory_space<vmem>>) target_semaphore(%run_scoped3A : memref<!tpu.dma_semaphore, #tpu.memory_space<semaphore_mem>>)
        %dma_wait3A = arith.constant 0 : i32
        %dma_wait3A_223 = tpu.memref_slice %arg2[%mul3A_203, %dma_wait3A] : memref<50000x1000xf32, #tpu.memory_space<hbm>> -> memref<40x1000xf32, #tpu.memory_space<hbm>>
        %dma_wait3A_224 = arith.constant 0 : i32
        %dma_wait3A_225 = tpu.memref_slice %arg2[%mul3A_203, %dma_wait3A_224] : memref<50000x1000xf32, #tpu.memory_space<hbm>> -> memref<40x1000xf32, #tpu.memory_space<hbm>>
        tpu.wait_dma2 semaphore(%run_scoped3A : memref<!tpu.dma_semaphore, #tpu.memory_space<semaphore_mem>>) src(%dma_wait3A_225 : memref<40x1000xf32, #tpu.memory_space<hbm>>) dst(%arg5 : memref<40x1000xf32, #tpu.memory_space<vmem>>)
        tpu.yield
      }) : () -> ()
      "tpu.region"() ({
        %run_scoped3A = tpu.sem_alloc : memref<!tpu.dma_semaphore, #tpu.memory_space<semaphore_mem>>
        %dma_start3A = tpu.memref_slice %arg3[%mul3A_203] : memref<50000xi32, #tpu.memory_space<hbm>> -> memref<40xi32, #tpu.memory_space<hbm>>
        %dma_start3A_220 = tpu.memref_slice %arg3[%mul3A_203] : memref<50000xi32, #tpu.memory_space<hbm>> -> memref<40xi32, #tpu.memory_space<hbm>>
        tpu.enqueue_dma source(%dma_start3A_220 : memref<40xi32, #tpu.memory_space<hbm>>) target(%arg6 : memref<40xi32, #tpu.memory_space<vmem>>) target_semaphore(%run_scoped3A : memref<!tpu.dma_semaphore, #tpu.memory_space<semaphore_mem>>)
        %dma_wait3A = tpu.memref_slice %arg3[%mul3A_203] : memref<50000xi32, #tpu.memory_space<hbm>> -> memref<40xi32, #tpu.memory_space<hbm>>
        %dma_wait3A_221 = tpu.memref_slice %arg3[%mul3A_203] : memref<50000xi32, #tpu.memory_space<hbm>> -> memref<40xi32, #tpu.memory_space<hbm>>
        tpu.wait_dma2 semaphore(%run_scoped3A : memref<!tpu.dma_semaphore, #tpu.memory_space<semaphore_mem>>) src(%dma_wait3A_221 : memref<40xi32, #tpu.memory_space<hbm>>) dst(%arg6 : memref<40xi32, #tpu.memory_space<vmem>>)
        tpu.yield
      }) : () -> ()
      %broadcast_in_dim3A_204 = arith.constant 0xFF800000 : f32
      %broadcast_in_dim3A_205 = vector.broadcast %broadcast_in_dim3A_204 : f32 to vector<16xf32>
      %ge3A = arith.constant 8 : i32
      %ge3A_206 = vector.broadcast %ge3A : i32 to vector<16xi32>
      %ge3A_207 = arith.cmpi sge, %iota3A, %ge3A_206 : vector<16xi32>
      %get3A = arith.constant 0 : i32
      %get3A_208 = arith.index_cast %get3A : i32 to index
      %get3A_209 = arith.constant 0 : index
      %get3A_210 = tpu.vector_load %arg7[%get3A_208, %get3A_209] {strides = array<i32>} : memref<45x16xf32, #tpu.memory_space<vmem>>, vector<16xf32>,
      %get3A_211 = arith.constant 0 : i32
      %get3A_212 = arith.index_cast %get3A_211 : i32 to index
      %get3A_213 = arith.constant 0 : index
      %get3A_214 = tpu.vector_load %arg5[%get3A_212, %get3A_213] {strides = array<i32>} : memref<40x1000xf32, #tpu.memory_space<vmem>>, vector<16xf32>,
      %add3A_215 = arith.addf %get3A_210, %get3A_214 : vector<16xf32>
      %swap3A_216 = arith.constant 0 : i32
      %swap3A_217 = arith.index_cast %swap3A_216 : i32 to index
      %swap3A_218 = arith.constant 0 : index
      %swap3A_219 = tpu.vector_load %arg7[%swap3A_217, %swap3A_218] {strides = array<i32>} : memref<45x16xf32, #tpu.memory_space<vmem>>, vector<16xf32>,
      tpu.vector_store %arg7[%swap3A_217, %swap3A_218], %add3A_215 {strides = array<i32>} : memref<45x16xf32, #tpu.memory_space<vmem>>, vector<16xf32>,
    }
    "tpu.region"() ({
      %run_scoped3A = tpu.sem_alloc : memref<!tpu.dma_semaphore, #tpu.memory_space<semaphore_mem>>
      %dma_start3A = arith.constant 0 : i32
      %dma_start3A_200 = arith.constant 0 : i32
      %dma_start3A_201 = tpu.memref_slice %arg4[%add3A, %dma_start3A, %dma_start3A_200] : memref<32x45x16xf32, #tpu.memory_space<hbm>> -> memref<1x45x16xf32, #tpu.memory_space<hbm>>
      %dma_start3A_202 = tpu.memref_squeeze %dma_start3A_201 : memref<1x45x16xf32, #tpu.memory_space<hbm>> -> memref<45x16xf32, #tpu.memory_space<hbm>>
      %dma_start3A_203 = arith.constant 0 : i32
      %dma_start3A_204 = arith.constant 0 : i32
      %dma_start3A_205 = tpu.memref_slice %arg4[%add3A, %dma_start3A_203, %dma_start3A_204] : memref<32x45x16xf32, #tpu.memory_space<hbm>> -> memref<1x45x16xf32, #tpu.memory_space<hbm>>
      %dma_start3A_206 = tpu.memref_squeeze %dma_start3A_205 : memref<1x45x16xf32, #tpu.memory_space<hbm>> -> memref<45x16xf32, #tpu.memory_space<hbm>>
      tpu.enqueue_dma source(%arg7 : memref<45x16xf32, #tpu.memory_space<vmem>>) target(%dma_start3A_206 : memref<45x16xf32, #tpu.memory_space<hbm>>) target_semaphore(%run_scoped3A : memref<!tpu.dma_semaphore, #tpu.memory_space<semaphore_mem>>)
      %dma_wait3A = arith.constant 0 : i32
      %dma_wait3A_207 = arith.constant 0 : i32
      %dma_wait3A_208 = tpu.memref_slice %arg4[%add3A, %dma_wait3A, %dma_wait3A_207] : memref<32x45x16xf32, #tpu.memory_space<hbm>> -> memref<1x45x16xf32, #tpu.memory_space<hbm>>
      %dma_wait3A_209 = tpu.memref_squeeze %dma_wait3A_208 : memref<1x45x16xf32, #tpu.memory_space<hbm>> -> memref<45x16xf32, #tpu.memory_space<hbm>>
      %dma_wait3A_210 = arith.constant 0 : i32
      %dma_wait3A_211 = arith.constant 0 : i32
      %dma_wait3A_212 = tpu.memref_slice %arg4[%add3A, %dma_wait3A_210, %dma_wait3A_211] : memref<32x45x16xf32, #tpu.memory_space<hbm>> -> memref<1x45x16xf32, #tpu.memory_space<hbm>>
      %dma_wait3A_213 = tpu.memref_squeeze %dma_wait3A_212 : memref<1x45x16xf32, #tpu.memory_space<hbm>> -> memref<45x16xf32, #tpu.memory_space<hbm>>
      tpu.wait_dma2 semaphore(%run_scoped3A : memref<!tpu.dma_semaphore, #tpu.memory_space<semaphore_mem>>) src(%arg7 : memref<45x16xf32, #tpu.memory_space<vmem>>) dst(%dma_wait3A_213 : memref<45x16xf32, #tpu.memory_space<hbm>>)
      tpu.yield
    }) : () -> ()
    return
  }
}

module attributes {stable_mosaic.version = 14 : i64} {
  func.func @_combine_body(%arg0: i32, %arg1: memref<1x45x16xf32, #tpu.memory_space<vmem>>, %arg2: memref<1x1xf32, #tpu.memory_space<vmem>>, %arg3: memref<45x16xf32, #tpu.memory_space<vmem>>) attributes {dimension_semantics = [#tpu.dimension_semantics<arbitrary>], iteration_bounds = array<i64: 32>, scalar_prefetch = 0 : i64, scratch_operands = 1 : i64, tpu.core_type = #tpu.core_type<tc>, window_params = [{transform_indices = @transform_0, window_bounds = array<i64: 1, 45, 16>}, {pipeline_mode = #tpu.pipeline_mode<synchronous>, transform_indices = @transform_1, window_bounds = array<i64: 1, 1>}]} {
    %eq3A = arith.constant 0 : i32
    %eq3A_0 = arith.cmpi eq, %arg0, %eq3A : i32
    %convert_element_type3A = arith.extui %eq3A_0 : i1 to i32
    %cond3A = arith.constant 0 : i32
    %cond3A_1 = arith.cmpi ne, %convert_element_type3A, %cond3A : i32
    scf.if %cond3A_1 {
      %broadcast_in_dim3A = arith.constant 0.000000e+00 : f32
      %broadcast_in_dim3A_16 = vector.broadcast %broadcast_in_dim3A : f32 to vector<45x16xf32>
      %swap3A_17 = arith.constant 0 : index
      %swap3A_18 = arith.constant 0 : index
      %swap3A_19 = vector.load %arg3[%swap3A_17, %swap3A_18] : memref<45x16xf32, #tpu.memory_space<vmem>>, vector<45x16xf32>
      tpu.vector_store %arg3[%swap3A_17, %swap3A_18], %broadcast_in_dim3A_16 {strides = array<i32>} : memref<45x16xf32, #tpu.memory_space<vmem>>, vector<45x16xf32>,
    } else {
    }
    %get3A = arith.constant 0 : index
    %get3A_2 = arith.constant 0 : index
    %get3A_3 = vector.load %arg3[%get3A, %get3A_2] : memref<45x16xf32, #tpu.memory_space<vmem>>, vector<45x16xf32>
    %get3A_4 = arith.constant 0 : index
    %get3A_5 = arith.constant 0 : index
    %get3A_6 = arith.constant 0 : index
    %get3A_7 = vector.load %arg1[%get3A_4, %get3A_5, %get3A_6] : memref<1x45x16xf32, #tpu.memory_space<vmem>>, vector<1x45x16xf32>
    %get3A_8 = vector.shape_cast %get3A_7 : vector<1x45x16xf32> to vector<45x16xf32>
    %add3A = arith.addf %get3A_3, %get3A_8 : vector<45x16xf32>
    %swap3A = arith.constant 0 : index
    %swap3A_9 = arith.constant 0 : index
    %swap3A_10 = vector.load %arg3[%swap3A, %swap3A_9] : memref<45x16xf32, #tpu.memory_space<vmem>>, vector<45x16xf32>
    tpu.vector_store %arg3[%swap3A, %swap3A_9], %add3A {strides = array<i32>} : memref<45x16xf32, #tpu.memory_space<vmem>>, vector<45x16xf32>,
    %eq3A_11 = arith.constant 31 : i32
    %eq3A_12 = arith.cmpi eq, %arg0, %eq3A_11 : i32
    %convert_element_type3A_13 = arith.extui %eq3A_12 : i1 to i32
    %cond3A_14 = arith.constant 0 : i32
    %cond3A_15 = arith.cmpi ne, %convert_element_type3A_13, %cond3A_14 : i32
    scf.if %cond3A_15 {
      %get3A_16 = arith.constant 0 : index
      %get3A_17 = arith.constant 0 : index
      %get3A_18 = vector.load %arg3[%get3A_16, %get3A_17] : memref<45x16xf32, #tpu.memory_space<vmem>>, vector<15x16xf32>
      %reduce_sum3A = arith.constant dense<0.000000e+00> : vector<15xf32>
      %reduce_sum3A_19 = vector.multi_reduction <add>, %get3A_18, %reduce_sum3A [1] : vector<15x16xf32> to vector<15xf32>
      %broadcast_in_dim3A = vector.shape_cast %reduce_sum3A_19 : vector<15xf32> to vector<15x1xf32>
      %get3A_20 = arith.constant 15 : index
      %get3A_21 = arith.constant 0 : index
      %get3A_22 = vector.load %arg3[%get3A_20, %get3A_21] : memref<45x16xf32, #tpu.memory_space<vmem>>, vector<15x16xf32>
      %reduce_sum3A_23 = arith.constant dense<0.000000e+00> : vector<15xf32>
      %reduce_sum3A_24 = vector.multi_reduction <add>, %get3A_22, %reduce_sum3A_23 [1] : vector<15x16xf32> to vector<15xf32>
      %broadcast_in_dim3A_25 = vector.shape_cast %reduce_sum3A_24 : vector<15xf32> to vector<15x1xf32>
      %get3A_26 = arith.constant 30 : index
      %get3A_27 = arith.constant 0 : index
      %get3A_28 = vector.load %arg3[%get3A_26, %get3A_27] : memref<45x16xf32, #tpu.memory_space<vmem>>, vector<15x16xf32>
      %reduce_sum3A_29 = arith.constant dense<0.000000e+00> : vector<15xf32>
      %reduce_sum3A_30 = vector.multi_reduction <add>, %get3A_28, %reduce_sum3A_29 [1] : vector<15x16xf32> to vector<15xf32>
      %broadcast_in_dim3A_31 = vector.shape_cast %reduce_sum3A_30 : vector<15xf32> to vector<15x1xf32>
      %max3A = arith.constant 1.000000e+00 : f32
      %max3A_32 = vector.broadcast %max3A : f32 to vector<15x1xf32>
      %max3A_33 = arith.maximumf %broadcast_in_dim3A, %max3A_32 : vector<15x1xf32>
      %div3A = arith.divf %broadcast_in_dim3A_25, %max3A_33 : vector<15x1xf32>
      %div3A_34 = arith.divf %broadcast_in_dim3A_31, %max3A_33 : vector<15x1xf32>
      %sub3A = arith.subf %div3A, %div3A_34 : vector<15x1xf32>
      %abs3A = math.absf %sub3A : vector<15x1xf32>
      %div3A_35 = arith.constant 5.000000e+04 : f32
      %div3A_36 = vector.broadcast %div3A_35 : f32 to vector<15x1xf32>
      %div3A_37 = arith.divf %broadcast_in_dim3A, %div3A_36 : vector<15x1xf32>
      %mul3A = arith.mulf %abs3A, %div3A_37 : vector<15x1xf32>
      %gt3A = arith.constant 0.000000e+00 : f32
      %gt3A_38 = vector.broadcast %gt3A : f32 to vector<15x1xf32>
      %gt3A_39 = arith.cmpf ogt, %broadcast_in_dim3A, %gt3A_38 : vector<15x1xf32>
      %jit3A = arith.constant 0.000000e+00 : f32
      %broadcast_in_dim3A_40 = vector.broadcast %jit3A : f32 to vector<15x1xf32>
      %select_n3A = arith.select %gt3A_39, %mul3A, %broadcast_in_dim3A_40 : vector<15x1xi1>, vector<15x1xf32>
      %reduce_sum3A_41 = arith.constant dense<0.000000e+00> : vector<1xf32>
      %reduce_sum3A_42 = vector.multi_reduction <add>, %select_n3A, %reduce_sum3A_41 [0] : vector<15x1xf32> to vector<1xf32>
      %broadcast_in_dim3A_43 = vector.shape_cast %reduce_sum3A_42 : vector<1xf32> to vector<1x1xf32>
      %reduce_sum3A_44 = arith.constant dense<0.000000e+00> : vector<1xf32>
      %reduce_sum3A_45 = vector.multi_reduction <add>, %broadcast_in_dim3A_43, %reduce_sum3A_44 [1] : vector<1x1xf32> to vector<1xf32>
      %broadcast_in_dim3A_46 = vector.shape_cast %reduce_sum3A_45 : vector<1xf32> to vector<1x1xf32>
      %swap3A_47 = arith.constant 0 : index
      %swap3A_48 = arith.constant 0 : index
      %swap3A_49 = vector.load %arg2[%swap3A_47, %swap3A_48] : memref<1x1xf32, #tpu.memory_space<vmem>>, vector<1x1xf32>
      tpu.vector_store %arg2[%swap3A_47, %swap3A_48], %broadcast_in_dim3A_46 {strides = array<i32>} : memref<1x1xf32, #tpu.memory_space<vmem>>, vector<1x1xf32>,
    } else {
    }
    return
  }
  func.func @transform_0(%arg0: i32) -> (i32, i32, i32) {
    %c0_i32 = arith.constant 0 : i32
    %c0_i32_0 = arith.constant 0 : i32
    %c0_i32_1 = arith.constant 0 : i32
    return %arg0, %c0_i32, %c0_i32_0 : i32, i32, i32
  }
  func.func @transform_1(%arg0: i32) -> (i32, i32) {
    %c0_i32 = arith.constant 0 : i32
    %c0_i32_0 = arith.constant 0 : i32
    %c0_i32_1 = arith.constant 0 : i32
    return %c0_i32, %c0_i32_0 : i32, i32
  }
}

</mosaic_0001>

<sc_bundles>
// kernel: kernel.4.cloned.1.call-start
scs
__scs_entry_jumppad:
0x0: {  	(pc) =	sbr.rel $0x88, $3  }
0x1: {  	(tag) =	ssettag $0x0;
	lr =	simm.s32 $0x1  }
0x2: {  	[smem:$0x3F9F] =	sst lr;
	_ =	strace $0xD0000000  }
0x3: {  	_ = 	snop  }
0x4: {  	_ = 	snop  }
0x5: {  	_ = 	snop  }
0x6: {  	_ = 	snop  }
0x7: {  	_ = 	snop  }
__scs_overlays_trampoline_lowered:
0x8: {  	[smem:$0x3FAE] =	sst s0  }
0x9: {  	[smem:$0x3FAF] =	sst s1  }
0xa: {  	[smem:$0x3FB0] =	sst s2  }
0xb: {  	[smem:$0x3FB1] =	sst s3  }
0xc: {  	[smem:$0x3FB2] =	sst s4  }
0xd: {  	[smem:$0x3FB3] =	sst s5  }
0xe: {  	[smem:$0x3FB4] =	sst s6  }
0xf: {  	[smem:$0x3FB5] =	sst s7  }
0x10: {  	[smem:$0x3FB6] =	sst s8  }
0x11: {  	[smem:$0x3FB7] =	sst s9;
	s0 =	simm.s32 @!p0 $0x0  }
0x12: {  	s1 =	sld [smem:$0x3F9D];
	s0 =	simm.s32 @p0 $0x1  }
0x13: {  	[smem:$0x3FB8] =	sst s0;
	s0 =	simm.s32 @!p1 $0x0  }
0x14: {  	s2 =	sld [smem:$0x3F9C];
	s0 =	simm.s32 @p1 $0x1  }
0x15: {  	[smem:$0x3FB9] =	sst s0;
	s0 =	simm.s32 @!p2 $0x0  }
0x16: {  	s3 =	sld [smem:$0x3FDB];
	s0 =	simm.s32 @p2 $0x1  }
0x17: {  	s4 =	simm.s32 $0x1BF5;
	[smem:$0x3FBB] =	sst s0  }
0x18: {  	s0 =	sld [smem:$0x3F9E];
	_ =	swait.ge [sflag:s4], $0x0  }
0x19: {  	s7 =	sld [smem:$0x3F9F]  }
0x1a: {  	s8 =	sadd.s32 $0xFFFFE003, lr  }
0x1b: {  	s9 =	sadd.s32 $0xFFFFFEF7, lr;
	s5 =	simm.s32 $0xFFFFFFFF;
	p2 =	slt.u32 s8, $0xFFFFF086  }
0x1c: {  	p1 =	slt.u32 s9, $0xF7A;
	s5 =	simm.s32 @!p2 $0x0  }
0x1d: {  	s5 =	simm.s32 @p1 $0x1;
	p0 =	seq.s32 s7, s2  }
0x1e: {  	s7 =	smul.u32 @!p0 $0xF7A, s2;
	p2 =	seq.s32 @!p0 s5, $0x0  }
0x1f: {  	s9 =	smul.u32 $0xF7A, s1;
	s8 =	simm.s32 @!p0 $0x1BF5;
	p2 =	por !p2, p0  }
0x20: {  	[sflag:s8] =	ssyncset.s32 @!p0 $0xFFFFF086;
	s6 =	sadd.s32 @!p0 s3, s7;
	s7 =	simm.s32 @!p0 $0x108  }
0x21: {  	s3 =	sadd.s32 s3, s9;
	s6 =	sadd.s32 @!p0 $0x88, s6;
	s7 =	simm.s32 @p2 $0x1082  }
0x22: {  	[simem:s7], [sflag:s8] =	dma.local @!p0 [hbm:s6], $0xF7A  }
0x23: {  	s9 =	sor.u32 $0xD0000000, s2;
	s6 =	simm.s32 $0x108;
	_ =	swait.ge @!p0 [sflag:s8], $0x0  }
0x24: {  	s3 =	sadd.s32 $0x88, s3;
	s6 =	simm.s32 @!p1 $0x1082;
	[sflag:s4] =	ssyncset.s32 $0xFFFFF086  }
0x25: {  	[simem:s6], [sflag:s4] =	dma.local [hbm:s3], $0xF7A  }
0x26: {  	[smem:$0x3F9F] =	sst s1;
	(tag) =	ssettag s2;
	_ =	strace s9  }
0x27: {  	s1 =	sld [smem:$0x3FAF]  }
0x28: {  	s2 =	sld [smem:$0x3FB0]  }
0x29: {  	s4 =	sld [smem:$0x3FB2]  }
0x2a: {  	p0 =	seq.s32 s5, $0x0;
	s5 =	sld [smem:$0x3FB3]  }
0x2b: {  	s6 =	sld [smem:$0x3FB4]  }
0x2c: {  	s7 =	sld [smem:$0x3FB5]  }
0x2d: {  	s3 =	simm.s32 $0x108;
	s8 =	sld [smem:$0x3FB6]  }
0x2e: {  	s3 =	simm.s32 @!p0 $0x1082;
	s9 =	sld [smem:$0x3FB7]  }
0x2f: {  	lr =	sadd.s32 s0, s3;
	s0 =	sld [smem:$0x3FAE]  }
0x30: {  	s3 =	sld [smem:$0x3FB1]  }
0x31: {  	[smem:$0x3FBA] =	sst s10  }
0x32: {  	s10 =	sld [smem:$0x3FB8];
	_ =	sdelay $0x3  }
0x33: {  	p0 =	seq.s32 s10, $0x1;
	s10 =	sld [smem:$0x3FBA];
	_ =	sdelay $0x3  }
0x34: {  	[smem:$0x3FBA] =	sst s10  }
0x35: {  	s10 =	sld [smem:$0x3FB9];
	_ =	sdelay $0x3  }
0x36: {  	p1 =	seq.s32 s10, $0x1;
	s10 =	sld [smem:$0x3FBA];
	_ =	sdelay $0x3  }
0x37: {  	[smem:$0x3FBA] =	sst s10  }
0x38: {  	s10 =	sld [smem:$0x3FBB]  }
0x39: {  	_ = 	snop;
	(pc) =	sbr.ind lr, $3  }
0x3a: {  	_ = 	snop  }
0x3b: {  	_ = 	snop  }
0x3c: {  	p2 =	seq.s32 s10, $0x1;
	s10 =	sld [smem:$0x3FBA]  }
0x3d: {  	_ =	shalt  }
0x3e: {  	_ =	shalt  }
0x3f: {  	_ =	shalt  }
0x40: {  	_ =	shalt  }
0x41: {  	_ =	shalt  }
0x42: {  	_ =	shalt  }
0x43: {  	_ =	shalt  }
0x44: {  	_ =	shalt  }
0x45: {  	_ =	shalt  }
0x46: {  	_ =	shalt  }
0x47: {  	_ =	shalt  }
0x48: {  	_ =	shalt  }
0x49: {  	_ =	shalt  }
0x4a: {  	_ =	shalt  }
0x4b: {  	_ =	shalt  }
0x4c: {  	_ =	shalt  }
0x4d: {  	_ =	shalt  }
0x4e: {  	_ =	shalt  }
0x4f: {  	_ =	shalt  }
0x50: {  	_ =	shalt  }
0x51: {  	_ =	shalt  }
0x52: {  	_ =	shalt  }
0x53: {  	_ =	shalt  }
0x54: {  	_ =	shalt  }
0x55: {  	_ =	shalt  }
0x56: {  	_ =	shalt  }
0x57: {  	_ =	shalt  }
0x58: {  	_ =	shalt  }
0x59: {  	_ =	shalt  }
0x5a: {  	_ =	shalt  }
0x5b: {  	_ =	shalt  }
0x5c: {  	_ =	shalt  }
0x5d: {  	_ =	shalt  }
0x5e: {  	_ =	shalt  }
0x5f: {  	_ =	shalt  }
0x60: {  	_ =	shalt  }
0x61: {  	_ =	shalt  }
0x62: {  	_ =	shalt  }
0x63: {  	_ =	shalt  }
0x64: {  	_ =	shalt  }
0x65: {  	_ =	shalt  }
0x66: {  	_ =	shalt  }
0x67: {  	_ =	shalt  }
0x68: {  	_ =	shalt  }
0x69: {  	_ =	shalt  }
0x6a: {  	_ =	shalt  }
0x6b: {  	_ =	shalt  }
0x6c: {  	_ =	shalt  }
0x6d: {  	_ =	shalt  }
0x6e: {  	_ =	shalt  }
0x6f: {  	_ =	shalt  }
0x70: {  	_ =	shalt  }
0x71: {  	_ =	shalt  }
0x72: {  	_ =	shalt  }
0x73: {  	_ =	shalt  }
0x74: {  	_ =	shalt  }
0x75: {  	_ =	shalt  }
0x76: {  	_ =	shalt  }
0x77: {  	_ =	shalt  }
0x78: {  	_ =	shalt  }
0x79: {  	_ =	shalt  }
0x7a: {  	_ =	shalt  }
0x7b: {  	_ =	shalt  }
0x7c: {  	_ =	shalt  }
0x7d: {  	_ =	shalt  }
0x7e: {  	_ =	shalt  }
0x7f: {  	_ =	shalt  }
0x80: {  	_ =	shalt  }
0x81: {  	_ =	shalt  }
0x82: {  	_ =	shalt  }
0x83: {  	_ =	shalt  }
0x84: {  	_ =	shalt  }
0x85: {  	_ =	shalt  }
0x86: {  	_ =	shalt  }
0x87: {  	_ =	shalt  }
.Lfunc_end0:
.L_simem_size_0:
called_computation_lowered:
.L_overlay_start_0:
0x88: {  	s2 =	sld [smem:$0x3FD9]  }
0x89: {  	s3 =	sld [smem:$0x3FFE];
	_ =	sdelay $0x1  }
0x8a: {  	s1 =	srdreg.scid  }
0x8b: {  	s0 =	sand.u32 $0x1, s1  }
0x8c: {  	s17 =	sshll.u32 s0, $0xA;
	s2 =	sadd.s32 s3, s2  }
0x8d: {  	s2 =	sadd.s32 s2, s17  }
0x8e: {  	[smem:$0x3FC6] =	sst s2  }
0x8f: {  	_ = 	snop  }
0x90: {  	s2 =	sld [smem:$0x3FC8];
	(tm) =	ssettm $0x1  }
0x91: {  	s18 =	sld [smem:$0x3FFB];
	_ =	sdelay $0x3  }
0x92: {  	_ =	strace s18  }
0x93: {  	s3 =	sld [smem:$0x3FFC];
	_ =	sdelay $0x3  }
0x94: {  	_ =	strace s3  }
0x95: {  	s3 =	sld [smem:$0x3FFD];
	_ =	sdelay $0x3  }
0x96: {  	_ =	strace s3  }
0x97: {  	_ =	strace $0x8FFFFFFF  }
0x98: {  	s19 =	sld [smem:$0x3FDB];
	_ =	sdelay $0x1  }
0x99: {  	s4 =	simm.s32 $_scs_section_size  }
0x9a: {  	s5 =	simm.s32 $_size__tile_overlayer_lowered;
	s6 =	simm.s32 $_tile_overlayer_lowered  }
0x9b: {  	s22 =	simm.s32 $0x1BFF;
	s21 =	sshll.u32 s6, $0x1;
	s3 =	sadd.s32 s4, s19  }
0x9c: {  	s7 =	simm.s32 $0x0;
	s20 =	sshll.u32 s5, $0x1;
	s5 =	sadd.s32 s21, s3  }
0x9d: {  	[timem:s7], [sflag:s22] =	dma.local [hbm:s5], s20  }
0x9e: {  	_ =	swait.ge [sflag:s22], s20  }
0x9f: {  	s4 =	ssub.s32 $0x0, s20;
	[sflag:s22] =	ssyncset.done $0x0  }
0xa0: {  	[sflag:s22] =	ssyncadd.s32 s4;
	_ =	sdelay $0x1  }
0xa1: {  	s23 =	simm.s32 $0x1B8B  }
0xa2: {  	_ =	swait.ge [sflag:s23], $0x1  }
0xa3: {  	[sflag:s23] =	ssyncset.done $0x0  }
0xa4: {  	s25 =	simm.s32 $0x1B8E;
	s24 =	sld [smem:$0x3FFE];
	[sflag:s23] =	ssyncadd.s32 $0xFFFFFFFF  }
0xa5: {  	s26 =	simm.s32 $execute0_lowered;
	[smem:$0x3FD2] =	sst s25  }
0xa6: {  	s5 =	sshll.u32 s26, $0x1;
	_ =	strace $0x80000046;
	[dreg:$0x1] =	wrdreg $0xFFFFFFFF  }
0xa7: {  	s28 =	simm.s32 $_size_execute0_lowered;
	s3 =	sadd.s32 s3, s5;
	[dreg:$0x0] =	wrdreg $0x0  }
0xa8: {  	s5 =	sshll.u32 s28, $0x1;
	[dreg:$0x2] =	wrdreg s3  }
0xa9: {  	[dreg:$0x3] =	wrdreg s5  }
0xaa: {  	[dreg:$0x4] =	wrdreg $0xC0  }
0xab: {  	_ =	task [dreg:s7], $0x5FFFF  }
0xac: {  	[dreg:$0x1] =	wrdreg $0xFFFFFFFF  }
0xad: {  	[dreg:$0x0] =	wrdreg $0x60  }
0xae: {  	[dreg:$0x2] =	wrdreg s24  }
0xaf: {  	[dreg:$0x3] =	wrdreg s2  }
0xb0: {  	[dreg:$0x4] =	wrdreg $0x9  }
0xb1: {  	_ =	task.clear_ibuf [dreg:s7], $0x5FFFF;
	_ =	strace $0x90000046  }
0xb2: {  	s29 =	simm.s32 $0x9;
	_ =	strace $0x80000048  }
0xb3: {  	_ =	swait.ge [sflag:s29], $0x1  }
0xb4: {  	[sflag:s29] =	ssyncadd.s32 $0xFFFFFFFF  }
0xb5: {  	_ =	strace $0x90000048  }
0xb6: {  	_ =	sfence  }
0xb7: {  	s30 =	sld [smem:$0x0];
	_ =	sdelay $0x2  }
0xb8: {  	s31 =	sshll.u32 s1, $0xD;
	s1 =	sshrl.u32 s1, $0x2  }
0xb9: {  	s3 =	sand.u32 $0x4000, s31;
	s1 =	sadd.s32 s1, s30  }
0xba: {  	s0 =	sor.u32 s3, s0;
	s1 =	sshll.u32 s1, $0x11  }
0xbb: {  	s0 =	sor.u32 s1, s0  }
0xbc: {  	s0 =	sadd.s32 $0x8F2B, s0  }
0xbd: {  	[sflag:s0] =	ssyncadd.remote.s32 $0x1  }
0xbe: {  	_ =	sfence.sel $0xFFFF  }
0xbf: {  	[dreg:$0x0] =	wrdreg $0xFFFFFFFF;
	(pc) =	sbr.abs _section_cstart, $3  }
0xc0: {  	[dreg:$0x1] =	wrdreg $0xFFFFFFFF  }
0xc1: {  	_ =	task.clear_ibuf [dreg:s7], $0x2FFFF;
	_ =	strace $0x9FFFFFFF  }
0xc2: {  	(tm) =	ssettm $0x7FFFFFFF  }
0xc3: {  	_ =	shalt  }
tec
execute0_lowered:
.L_overlay_start_1:
0x0: {  	(tag) =	ssettag $0x1  }
0x1: {  	s1 =	srdreg.scid;
	s6 =	rddreg [dreg:$0x0]  }
0x2: {  	s0 =	stileid.u32;
	s7 =	rddreg [dreg:$0x1];
	s10 =	simm.s32 $0xA080  }
0x3: {  	s11 =	simm.s32 $0x0;
	s3 =	sand.u32 $0x1, s1;
	s28 =	sshll.u32 s0, $0x1  }
0x4: {  	s29 =	smul.u32 $0x4E, s0;
	p0 =	seq.s32 s0, $0x0;
	s4 =	sor.u32 s3, s28  }
0x5: {  	s5 =	smul.u32 $0x27, s3;
	s3 =	ssub.s32 $0x2, s3;
	s2 =	smin.u32 s4, $0x2  }
0x6: {  	s4 =	smul.u32 $0x300, s4;
	s9 =	sshrl.u32 s3, $0x1;
	s1 =	sadd.s32 s29, s2  }
0x7: {  	s2 =	simm.s32 $0x0;
	s30 =	ssub.s32 s3, s9;
	s3 =	simm.s32 $0x28  }
0x8: {  	s9 =	simm.s32 $0xA000;
	s5 =	sadd.s32 s5, s1;
	s1 =	rddreg [dreg:$0x2]  }
0x9: {  	[smem:$0x7FF] =	sst s2;
	s4 =	sadd.s32 s4, s6;
	s8 =	smul.u32 $0x1400, s5  }
0xa: {  	s3 =	simm.s32 @!p0 $0x27;
	_ =	strace $0x80000047;
	s31 =	smul.u32 $0x5, s5  }
0xb: {  	s4 =	sadd.s32 $0x61AE00, s4;
	s5 =	smax.u32 s30, $0x1;
	s8 =	sadd.s32 s8, s6  }
0xc: {  	v0 =	vimm.f32 $0.0e+00;
	s6 =	sadd.s32 s31, s7;
	s7 =	sadd.s32 $0x600, s8;
	s8 =	simm.s32 $0x1  }
.LBB2_1:
0xd: {  	[tilespmem:$0xA080] =	vst v0  }
0xe: {  	[tilespmem:$0xA100] =	vst v0  }
0xf: {  	[tilespmem:$0xA180] =	vst v0  }
0x10: {  	[tilespmem:$0xA200] =	vst v0  }
0x11: {  	[tilespmem:$0xA280] =	vst v0  }
0x12: {  	[tilespmem:$0xA300] =	vst v0  }
0x13: {  	[tilespmem:$0xA380] =	vst v0  }
0x14: {  	[tilespmem:$0xA400] =	vst v0  }
0x15: {  	[tilespmem:$0xA480] =	vst v0  }
0x16: {  	[tilespmem:$0xA500] =	vst v0  }
0x17: {  	[tilespmem:$0xA580] =	vst v0  }
0x18: {  	[tilespmem:$0xA600] =	vst v0  }
0x19: {  	[tilespmem:$0xA680] =	vst v0  }
0x1a: {  	[tilespmem:$0xA700] =	vst v0  }
0x1b: {  	[tilespmem:$0xA780] =	vst v0  }
0x1c: {  	[tilespmem:$0xA800] =	vst v0  }
0x1d: {  	[tilespmem:$0xA880] =	vst v0  }
0x1e: {  	[tilespmem:$0xA900] =	vst v0  }
0x1f: {  	[tilespmem:$0xA980] =	vst v0  }
0x20: {  	[tilespmem:$0xAA00] =	vst v0  }
0x21: {  	[tilespmem:$0xAA80] =	vst v0  }
0x22: {  	[tilespmem:$0xAB00] =	vst v0  }
0x23: {  	[tilespmem:$0xAB80] =	vst v0  }
0x24: {  	[tilespmem:$0xAC00] =	vst v0  }
0x25: {  	[tilespmem:$0xAC80] =	vst v0  }
0x26: {  	[tilespmem:$0xAD00] =	vst v0  }
0x27: {  	[tilespmem:$0xAD80] =	vst v0  }
0x28: {  	[tilespmem:$0xAE00] =	vst v0  }
0x29: {  	[tilespmem:$0xAE80] =	vst v0  }
0x2a: {  	[tilespmem:$0xAF00] =	vst v0  }
0x2b: {  	[tilespmem:$0xAF80] =	vst v0  }
0x2c: {  	[tilespmem:$0xB000] =	vst v0  }
0x2d: {  	[tilespmem:$0xB080] =	vst v0  }
0x2e: {  	[tilespmem:$0xB100] =	vst v0  }
0x2f: {  	[tilespmem:$0xB180] =	vst v0  }
0x30: {  	[tilespmem:$0xB200] =	vst v0  }
0x31: {  	[tilespmem:$0xB280] =	vst v0  }
0x32: {  	[tilespmem:$0xB300] =	vst v0  }
0x33: {  	[tilespmem:$0xB380] =	vst v0  }
0x34: {  	[tilespmem:$0xB400] =	vst v0  }
0x35: {  	[tilespmem:$0xB480] =	vst v0  }
0x36: {  	[tilespmem:$0xB500] =	vst v0  }
0x37: {  	[tilespmem:$0xB580] =	vst v0  }
0x38: {  	[tilespmem:$0xB600] =	vst v0  }
0x39: {  	[tilespmem:$0xB680] =	vst v0  }
0x3a: {  	[tilespmem:s2], [sflag:$0x1] =	stream.linear.gather [hbm4b:s7+s2], $0xA000, $0x38;
	[tilespmem:$0xB880] =	vst v63  }
0x3b: {  	_ =	swait.ge [sflag:s8], $0xA000  }
0x3c: {  	[sflag:s8] =	ssyncset.done $0x0  }
0x3d: {  	[sflag:s8] =	ssyncadd.s32 $0xFFFF6000  }
0x3e: {  	[tilespmem:s9], [sflag:$0x1] =	stream.linear.gather [hbm4b:s6+s2], $0x28, $0x38;
	[tilespmem:$0xB880] =	vst v63  }
0x3f: {  	_ =	swait.ge [sflag:s8], $0x28  }
0x40: {  	[sflag:s8] =	ssyncset.done $0x0  }
0x41: {  	[sflag:s8] =	ssyncadd.s32 $0xFFFFFFD8  }
0x42: {  	v1 =	vld [tilespmem:$0xA080]  }
0x43: {  	p0 =	sne.s32 s3, $0x1;
	v2 =	vld [tilespmem:$0x0]  }
.Ltmp0:
0x44: {  	_ = 	snop;
	(pc) =	sbr.rel @!p0 .LBB2_3-.Ltmp0, $2  }
0x45: {  	_ =	sdelay $0x2  }
0x46: {  	s12 =	sadd.s32 $0xFFFFFFFF, s3;
	s13 =	smov.u32 s6;
	s14 =	smov.u32 s7;
	v1 =	vadd.f32 v2, v1  }
.LBB2_2:
0x47: {  	p0 =	sne.s32 s12, $0x1;
	s13 =	sadd.s32 $0x5, s13;
	s14 =	sadd.s32 $0x1400, s14  }
0x48: {  	s12 =	sadd.s32 $0xFFFFFFFF, s12;
	[tilespmem:$0xA080] =	vst v1  }
0x49: {  	[tilespmem:s2], [sflag:$0x1] =	stream.linear.gather [hbm4b:s14+s2], $0xA000, $0x38;
	[tilespmem:$0xB880] =	vst v63  }
0x4a: {  	_ =	swait.ge [sflag:s8], $0xA000  }
0x4b: {  	[sflag:s8] =	ssyncset.done $0x0  }
0x4c: {  	[sflag:s8] =	ssyncadd.s32 $0xFFFF6000  }
0x4d: {  	[tilespmem:s9], [sflag:$0x1] =	stream.linear.gather [hbm4b:s13+s2], $0x28, $0x38;
	[tilespmem:$0xB880] =	vst v63  }
0x4e: {  	_ =	swait.ge [sflag:s8], $0x28  }
0x4f: {  	[sflag:s8] =	ssyncset.done $0x0  }
0x50: {  	[sflag:s8] =	ssyncadd.s32 $0xFFFFFFD8  }
0x51: {  	v1 =	vld [tilespmem:$0xA080]  }
0x52: {  	v2 =	vld [tilespmem:$0x0]  }
.Ltmp1:
0x53: {  	(pc) =	sbr.rel @p0 .LBB2_2-.Ltmp1, $2  }
0x54: {  	_ =	sdelay $0x2  }
0x55: {  	v1 =	vadd.f32 v2, v1  }
.LBB2_3:
0x56: {  	s11 =	sadd.s32 $0x1, s11  }
0x57: {  	p0 =	sne.s32 s11, s5  }
.Ltmp2:
0x58: {  	[tilespmem:$0xA080] =	vst v1;
	(pc) =	sbr.rel @p0 .LBB2_1-.Ltmp2, $4  }
0x59: {  	[hbm4b:s4+s2] =	stream.linear.scatter [tilespmem:s10], [sflag:$0x1], $0x1680, $0x38;
	[tilespmem:$0xB880] =	vst v63  }
0x5a: {  	_ =	swait.ge [sflag:s8], $0x1680  }
0x5b: {  	[sflag:s8] =	ssyncset.done $0x0  }
0x5c: {  	[sflag:s8] =	ssyncadd.s32 $0xFFFFE980  }
0x5d: {  	_ =	sfence.sel $0x180000  }
0x5e: {  	[bflag:$0x0] =	sbarrier.arrive $0xFFFF  }
0x5f: {  	p0 =	sne.s32 s0, $0x0;
	_ =	strace $0x90000047  }
0x60: {  	s0 =	sadd.s32 @!p0 $0x100000, s1;
	[bflag:$0x2] =	sbarrier.arrive $0xFFFF  }
0x61: {  	[sflag:s0] =	ssyncadd.tile.s32 @!p0 $0x1;
	_ =	shalt  }
.Lfunc_end2:
_tile_overlayer_lowered:
.L_overlay_start_2:
0x62: {  	(tag) =	ssettag $0x2  }
0x63: {  	s0 =	rddreg [dreg:$0x0];
	s2 =	stileid.u32  }
0x64: {  	s1 =	rddreg [dreg:$0x1];
	p0 =	sne.s32 s2, $0x0  }
0x65: {  	s3 =	rddreg [dreg:$0x2];
	[bflag:$0x3] =	sbarrier.arrive $0xFFFF;
	s2 =	simm.s32 @!p0 $0x1C01  }
0x66: {  	[timem:s3], [sflag:s2] =	dma.local @!p0 [hbm:s0], s1  }
0x67: {  	s0 =	simm.s32 @!p0 $0x1  }
0x68: {  	_ =	swait.ge @!p0 [sflag:s0], s1  }
0x69: {  	s1 =	ssub.s32 @!p0 $0x0, s1;
	[sflag:s0] =	ssyncset.done @!p0 $0x0  }
0x6a: {  	[sflag:s0] =	ssyncadd.s32 @!p0 s1  }
0x6b: {  	[bflag:$0x3] =	sbarrier.arrive $0xFFFF  }
0x6c: {  	_ =	shalt  }

</sc_bundles>
